<compile_context>
chip_gen: v7x
topology: tpu7x:2x2x1
jax: 0.10.2.dev20260603
libtpu: 0.0.44.dev20260713+nightly
codegen_flags: <defaults>
</compile_context>

<pallas_src>
import jax
import jax.numpy as jnp
from jax import lax
from jax.experimental import pallas as pl
from jax.experimental.pallas import tpu as pltpu
from jax.experimental.pallas import tpu_sc as plsc

N_SEQ = 4
SEQ_LEN = 1000
F_DIM = 5143 * 3
I_DIM = 300 * 3


def _sc_body(f2_hbm, i2_hbm, its_hbm, sf_hbm, outf_hbm, outi_hbm,
             its_s, sf_s, rowf_v, rowi_v):
    c = lax.axis_index("c")
    s = lax.axis_index("s")
    wid = s * 2 + c

    @pl.when(wid < 2)
    def _():
        pltpu.sync_copy(its_hbm, its_s)
        pltpu.sync_copy(sf_hbm, sf_s)
        sfv = sf_s[...]
        itsv = its_s[...]
        seq = sfv[0]
        frame = sfv[1]
        idx = itsv[N_SEQ - 1]
        for k in range(N_SEQ - 2, -1, -1):
            idx = jnp.where(seq == k, itsv[k], idx)

        @pl.when(wid == 0)
        def _():
            pltpu.sync_copy(f2_hbm.at[idx, pl.ds(frame, 1), :], rowf_v)
            pltpu.sync_copy(rowf_v, outf_hbm)

        @pl.when(wid == 1)
        def _():
            pltpu.sync_copy(i2_hbm.at[idx, pl.ds(frame, 1), :], rowi_v)
            pltpu.sync_copy(rowi_v, outi_hbm)


def kernel(flame_books, inner_books, idx_to_sequence, sequence, frame):
    its16 = jnp.pad(idx_to_sequence.astype(jnp.int32), (0, 16 - N_SEQ))
    sf16 = jnp.full((16,), jnp.asarray(frame, jnp.int32)).at[0].set(
        jnp.asarray(sequence, jnp.int32))

    mesh = plsc.VectorSubcoreMesh(core_axis_name="c", subcore_axis_name="s")
    outf, outi = pl.kernel(
        _sc_body,
        out_type=[
            jax.ShapeDtypeStruct((1, F_DIM), jnp.float32),
            jax.ShapeDtypeStruct((1, I_DIM), jnp.float32),
        ],
        mesh=mesh,
        scratch_types=[
            pltpu.VMEM((16,), jnp.int32),
            pltpu.VMEM((16,), jnp.int32),
            pltpu.VMEM((1, F_DIM), jnp.float32),
            pltpu.VMEM((1, I_DIM), jnp.float32),
        ],
    )(flame_books, inner_books, its16, sf16)
    return jnp.concatenate(
        [outf.reshape(-1, 3), outi.reshape(-1, 3)], axis=0
    )

# --- scband reference (transcript-rebuilt; emitter-appended) ---
"""Pipeline reference for scband-rigging-params-20607253086490 (READ-ONLY COPY).

The authoritative reference and input builder live on the scoring server;
editing this copy changes nothing except your own understanding.
"""

import jax, jax.numpy as jnp
import numpy as np

N_SEQ = 4
SEQ_LEN = 1000
NUM_FLAME_VERTICES = 5143
NUM_INNER_MOUTH_VERTICES = 300


def setup_inputs(seed: int = 0) -> dict:
    key = jax.random.key(seed)
    k1, k2 = jax.random.split(key)
    # Stacked per-sequence code books (equivalent to the nn.ModuleList of nn.Embedding)
    flame_books = jax.random.normal(k1, (N_SEQ, SEQ_LEN, NUM_FLAME_VERTICES * 3), dtype=jnp.float32)
    inner_books = jax.random.normal(k2, (N_SEQ, SEQ_LEN, NUM_INNER_MOUTH_VERTICES * 3), dtype=jnp.float32)
    # idx_to_sequence buffer: sequences = [0,1,2,3] so identity mapping
    idx_to_sequence = jnp.arange(N_SEQ, dtype=jnp.int32)
    return {
        "flame_books": flame_books,
        "inner_books": inner_books,
        "idx_to_sequence": idx_to_sequence,
        "sequence": 2,
        "frame": 123,
    }


def reference(flame_books, inner_books, idx_to_sequence, sequence, frame):
    # idx = self.idx_to_sequence[sequence]
    idx = jnp.take(idx_to_sequence, sequence)
    # flame_vertices = self.flame_code_books[idx](frame)
    flame_vertices = jnp.take(jnp.take(flame_books, idx, axis=0), frame, axis=0)
    flame_vertices = flame_vertices.reshape(-1, 3)
    # inner_mouth_vertices = self.inner_mouth_code_books[idx](frame)
    inner_mouth_vertices = jnp.take(jnp.take(inner_books, idx, axis=0), frame, axis=0)
    inner_mouth_vertices = inner_mouth_vertices.reshape(-1, 3)
    vertices = jnp.concatenate([flame_vertices, inner_mouth_vertices], axis=0)
    return vertices

if __name__ == "__main__":
    import jax
    _d = setup_inputs()
    print(jax.jit(kernel)(*tuple(_d.values())))

</pallas_src>

<mosaic_0001>
#map = affine_map<(d0, d1) -> (0, 0, 0)>
#map1 = affine_map<(d0, d1) -> (0)>
#map2 = affine_map<(d0, d1) -> (0, 0)>
module attributes {stable_mosaic.version = 14 : i64} {
  func.func @_sc_body(%arg0: i32, %arg1: i32, %arg2: memref<4x1000x15429xf32, #tpu.memory_space<hbm>>, %arg3: memref<4x1000x900xf32, #tpu.memory_space<hbm>>, %arg4: memref<16xi32, #tpu.memory_space<hbm>>, %arg5: memref<16xi32, #tpu.memory_space<hbm>>, %arg6: memref<1x15429xf32, #tpu.memory_space<hbm>>, %arg7: memref<1x900xf32, #tpu.memory_space<hbm>>, %arg8: memref<16xi32, #tpu.memory_space<vmem>>, %arg9: memref<16xi32, #tpu.memory_space<vmem>>, %arg10: memref<1x15429xf32, #tpu.memory_space<vmem>>, %arg11: memref<1x900xf32, #tpu.memory_space<vmem>>) attributes {dimension_semantics = [#tpu.dimension_semantics<core_parallel>, #tpu.dimension_semantics<subcore_parallel>], iteration_bounds = array<i64: 2, 16>, scalar_prefetch = 0 : i64, scratch_operands = 4 : i64, tpu.core_type = #tpu.core_type<sc_vector_subcore>, window_params = [{transform_indices = #map}, {transform_indices = #map}, {transform_indices = #map1}, {transform_indices = #map1}, {transform_indices = #map2}, {transform_indices = #map2}]} {
    %mul3A = arith.constant 2 : i32
    %mul3A_0 = arith.muli %arg1, %mul3A : i32
    %add3A = arith.addi %mul3A_0, %arg0 : i32
    %lt3A = arith.constant 2 : i32
    %lt3A_1 = arith.cmpi slt, %add3A, %lt3A : i32
    %convert_element_type3A = arith.extui %lt3A_1 : i1 to i32
    %cond3A = arith.constant 0 : i32
    %cond3A_2 = arith.cmpi ne, %convert_element_type3A, %cond3A : i32
    scf.if %cond3A_2 {
      "tpu.region"() ({
        %run_scoped3A = tpu.sem_alloc : memref<!tpu.dma_semaphore, #tpu.memory_space<semaphore_mem>>
        tpu.enqueue_dma source(%arg4 : memref<16xi32, #tpu.memory_space<hbm>>) target(%arg8 : memref<16xi32, #tpu.memory_space<vmem>>) target_semaphore(%run_scoped3A : memref<!tpu.dma_semaphore, #tpu.memory_space<semaphore_mem>>)
        tpu.wait_dma2 semaphore(%run_scoped3A : memref<!tpu.dma_semaphore, #tpu.memory_space<semaphore_mem>>) src(%arg4 : memref<16xi32, #tpu.memory_space<hbm>>) dst(%arg8 : memref<16xi32, #tpu.memory_space<vmem>>)
        tpu.yield
      }) : () -> ()
      "tpu.region"() ({
        %run_scoped3A = tpu.sem_alloc : memref<!tpu.dma_semaphore, #tpu.memory_space<semaphore_mem>>
        tpu.enqueue_dma source(%arg5 : memref<16xi32, #tpu.memory_space<hbm>>) target(%arg9 : memref<16xi32, #tpu.memory_space<vmem>>) target_semaphore(%run_scoped3A : memref<!tpu.dma_semaphore, #tpu.memory_space<semaphore_mem>>)
        tpu.wait_dma2 semaphore(%run_scoped3A : memref<!tpu.dma_semaphore, #tpu.memory_space<semaphore_mem>>) src(%arg5 : memref<16xi32, #tpu.memory_space<hbm>>) dst(%arg9 : memref<16xi32, #tpu.memory_space<vmem>>)
        tpu.yield
      }) : () -> ()
      %get3A = arith.constant 0 : index
      %get3A_3 = tpu.vector_load %arg9[%get3A] {strides = array<i32>} : memref<16xi32, #tpu.memory_space<vmem>>, vector<16xi32>,
      %get3A_4 = vector.shape_cast %get3A_3 : vector<16xi32> to vector<16xi32>
      %get3A_5 = arith.constant 0 : index
      %get3A_6 = tpu.vector_load %arg8[%get3A_5] {strides = array<i32>} : memref<16xi32, #tpu.memory_space<vmem>>, vector<16xi32>,
      %get3A_7 = vector.shape_cast %get3A_6 : vector<16xi32> to vector<16xi32>
      %slice3A = vector.extract_strided_slice %get3A_4 {offsets = [0], sizes = [1], strides = [1]} : vector<16xi32> to vector<1xi32>
      %squeeze3A = vector.extract %slice3A[0] : i32 from vector<1xi32>
      %slice3A_8 = vector.extract_strided_slice %get3A_4 {offsets = [1], sizes = [1], strides = [1]} : vector<16xi32> to vector<1xi32>
      %squeeze3A_9 = vector.extract %slice3A_8[0] : i32 from vector<1xi32>
      %slice3A_10 = vector.extract_strided_slice %get3A_7 {offsets = [3], sizes = [1], strides = [1]} : vector<16xi32> to vector<1xi32>
      %squeeze3A_11 = vector.extract %slice3A_10[0] : i32 from vector<1xi32>
      %eq3A = arith.constant 2 : i32
      %eq3A_12 = arith.cmpi eq, %squeeze3A, %eq3A : i32
      %slice3A_13 = vector.extract_strided_slice %get3A_7 {offsets = [2], sizes = [1], strides = [1]} : vector<16xi32> to vector<1xi32>
      %squeeze3A_14 = vector.extract %slice3A_13[0] : i32 from vector<1xi32>
      %select_n3A = arith.select %eq3A_12, %squeeze3A_14, %squeeze3A_11 : i32
      %eq3A_15 = arith.constant 1 : i32
      %eq3A_16 = arith.cmpi eq, %squeeze3A, %eq3A_15 : i32
      %slice3A_17 = vector.extract_strided_slice %get3A_7 {offsets = [1], sizes = [1], strides = [1]} : vector<16xi32> to vector<1xi32>
      %squeeze3A_18 = vector.extract %slice3A_17[0] : i32 from vector<1xi32>
      %select_n3A_19 = arith.select %eq3A_16, %squeeze3A_18, %select_n3A : i32
      %eq3A_20 = arith.constant 0 : i32
      %eq3A_21 = arith.cmpi eq, %squeeze3A, %eq3A_20 : i32
      %slice3A_22 = vector.extract_strided_slice %get3A_7 {offsets = [0], sizes = [1], strides = [1]} : vector<16xi32> to vector<1xi32>
      %squeeze3A_23 = vector.extract %slice3A_22[0] : i32 from vector<1xi32>
      %select_n3A_24 = arith.select %eq3A_21, %squeeze3A_23, %select_n3A_19 : i32
      %eq3A_25 = arith.constant 0 : i32
      %eq3A_26 = arith.cmpi eq, %add3A, %eq3A_25 : i32
      %convert_element_type3A_27 = arith.extui %eq3A_26 : i1 to i32
      %cond3A_28 = arith.constant 0 : i32
      %cond3A_29 = arith.cmpi ne, %convert_element_type3A_27, %cond3A_28 : i32
      scf.if %cond3A_29 {
        "tpu.region"() ({
          %run_scoped3A = tpu.sem_alloc : memref<!tpu.dma_semaphore, #tpu.memory_space<semaphore_mem>>
          %dma_start3A = arith.constant 0 : i32
          %dma_start3A_35 = tpu.memref_slice %arg2[%select_n3A_24, %squeeze3A_9, %dma_start3A] : memref<4x1000x15429xf32, #tpu.memory_space<hbm>> -> memref<1x1x15429xf32, #tpu.memory_space<hbm>>
          %dma_start3A_36 = tpu.memref_squeeze %dma_start3A_35 : memref<1x1x15429xf32, #tpu.memory_space<hbm>> -> memref<1x15429xf32, #tpu.memory_space<hbm>>
          %dma_start3A_37 = arith.constant 0 : i32
          %dma_start3A_38 = tpu.memref_slice %arg2[%select_n3A_24, %squeeze3A_9, %dma_start3A_37] : memref<4x1000x15429xf32, #tpu.memory_space<hbm>> -> memref<1x1x15429xf32, #tpu.memory_space<hbm>>
          %dma_start3A_39 = tpu.memref_squeeze %dma_start3A_38 : memref<1x1x15429xf32, #tpu.memory_space<hbm>> -> memref<1x15429xf32, #tpu.memory_space<hbm>>
          tpu.enqueue_dma source(%dma_start3A_39 : memref<1x15429xf32, #tpu.memory_space<hbm>>) target(%arg10 : memref<1x15429xf32, #tpu.memory_space<vmem>>) target_semaphore(%run_scoped3A : memref<!tpu.dma_semaphore, #tpu.memory_space<semaphore_mem>>)
          %dma_wait3A = arith.constant 0 : i32
          %dma_wait3A_40 = tpu.memref_slice %arg2[%select_n3A_24, %squeeze3A_9, %dma_wait3A] : memref<4x1000x15429xf32, #tpu.memory_space<hbm>> -> memref<1x1x15429xf32, #tpu.memory_space<hbm>>
          %dma_wait3A_41 = tpu.memref_squeeze %dma_wait3A_40 : memref<1x1x15429xf32, #tpu.memory_space<hbm>> -> memref<1x15429xf32, #tpu.memory_space<hbm>>
          %dma_wait3A_42 = arith.constant 0 : i32
          %dma_wait3A_43 = tpu.memref_slice %arg2[%select_n3A_24, %squeeze3A_9, %dma_wait3A_42] : memref<4x1000x15429xf32, #tpu.memory_space<hbm>> -> memref<1x1x15429xf32, #tpu.memory_space<hbm>>
          %dma_wait3A_44 = tpu.memref_squeeze %dma_wait3A_43 : memref<1x1x15429xf32, #tpu.memory_space<hbm>> -> memref<1x15429xf32, #tpu.memory_space<hbm>>
          tpu.wait_dma2 semaphore(%run_scoped3A : memref<!tpu.dma_semaphore, #tpu.memory_space<semaphore_mem>>) src(%dma_wait3A_44 : memref<1x15429xf32, #tpu.memory_space<hbm>>) dst(%arg10 : memref<1x15429xf32, #tpu.memory_space<vmem>>)
          tpu.yield
        }) : () -> ()
        "tpu.region"() ({
          %run_scoped3A = tpu.sem_alloc : memref<!tpu.dma_semaphore, #tpu.memory_space<semaphore_mem>>
          tpu.enqueue_dma source(%arg10 : memref<1x15429xf32, #tpu.memory_space<vmem>>) target(%arg6 : memref<1x15429xf32, #tpu.memory_space<hbm>>) target_semaphore(%run_scoped3A : memref<!tpu.dma_semaphore, #tpu.memory_space<semaphore_mem>>)
          tpu.wait_dma2 semaphore(%run_scoped3A : memref<!tpu.dma_semaphore, #tpu.memory_space<semaphore_mem>>) src(%arg10 : memref<1x15429xf32, #tpu.memory_space<vmem>>) dst(%arg6 : memref<1x15429xf32, #tpu.memory_space<hbm>>)
          tpu.yield
        }) : () -> ()
      } else {
      }
      %eq3A_30 = arith.constant 1 : i32
      %eq3A_31 = arith.cmpi eq, %add3A, %eq3A_30 : i32
      %convert_element_type3A_32 = arith.extui %eq3A_31 : i1 to i32
      %cond3A_33 = arith.constant 0 : i32
      %cond3A_34 = arith.cmpi ne, %convert_element_type3A_32, %cond3A_33 : i32
      scf.if %cond3A_34 {
        "tpu.region"() ({
          %run_scoped3A = tpu.sem_alloc : memref<!tpu.dma_semaphore, #tpu.memory_space<semaphore_mem>>
          %dma_start3A = arith.constant 0 : i32
          %dma_start3A_35 = tpu.memref_slice %arg3[%select_n3A_24, %squeeze3A_9, %dma_start3A] : memref<4x1000x900xf32, #tpu.memory_space<hbm>> -> memref<1x1x900xf32, #tpu.memory_space<hbm>>
          %dma_start3A_36 = tpu.memref_squeeze %dma_start3A_35 : memref<1x1x900xf32, #tpu.memory_space<hbm>> -> memref<1x900xf32, #tpu.memory_space<hbm>>
          %dma_start3A_37 = arith.constant 0 : i32
          %dma_start3A_38 = tpu.memref_slice %arg3[%select_n3A_24, %squeeze3A_9, %dma_start3A_37] : memref<4x1000x900xf32, #tpu.memory_space<hbm>> -> memref<1x1x900xf32, #tpu.memory_space<hbm>>
          %dma_start3A_39 = tpu.memref_squeeze %dma_start3A_38 : memref<1x1x900xf32, #tpu.memory_space<hbm>> -> memref<1x900xf32, #tpu.memory_space<hbm>>
          tpu.enqueue_dma source(%dma_start3A_39 : memref<1x900xf32, #tpu.memory_space<hbm>>) target(%arg11 : memref<1x900xf32, #tpu.memory_space<vmem>>) target_semaphore(%run_scoped3A : memref<!tpu.dma_semaphore, #tpu.memory_space<semaphore_mem>>)
          %dma_wait3A = arith.constant 0 : i32
          %dma_wait3A_40 = tpu.memref_slice %arg3[%select_n3A_24, %squeeze3A_9, %dma_wait3A] : memref<4x1000x900xf32, #tpu.memory_space<hbm>> -> memref<1x1x900xf32, #tpu.memory_space<hbm>>
          %dma_wait3A_41 = tpu.memref_squeeze %dma_wait3A_40 : memref<1x1x900xf32, #tpu.memory_space<hbm>> -> memref<1x900xf32, #tpu.memory_space<hbm>>
          %dma_wait3A_42 = arith.constant 0 : i32
          %dma_wait3A_43 = tpu.memref_slice %arg3[%select_n3A_24, %squeeze3A_9, %dma_wait3A_42] : memref<4x1000x900xf32, #tpu.memory_space<hbm>> -> memref<1x1x900xf32, #tpu.memory_space<hbm>>
          %dma_wait3A_44 = tpu.memref_squeeze %dma_wait3A_43 : memref<1x1x900xf32, #tpu.memory_space<hbm>> -> memref<1x900xf32, #tpu.memory_space<hbm>>
          tpu.wait_dma2 semaphore(%run_scoped3A : memref<!tpu.dma_semaphore, #tpu.memory_space<semaphore_mem>>) src(%dma_wait3A_44 : memref<1x900xf32, #tpu.memory_space<hbm>>) dst(%arg11 : memref<1x900xf32, #tpu.memory_space<vmem>>)
          tpu.yield
        }) : () -> ()
        "tpu.region"() ({
          %run_scoped3A = tpu.sem_alloc : memref<!tpu.dma_semaphore, #tpu.memory_space<semaphore_mem>>
          tpu.enqueue_dma source(%arg11 : memref<1x900xf32, #tpu.memory_space<vmem>>) target(%arg7 : memref<1x900xf32, #tpu.memory_space<hbm>>) target_semaphore(%run_scoped3A : memref<!tpu.dma_semaphore, #tpu.memory_space<semaphore_mem>>)
          tpu.wait_dma2 semaphore(%run_scoped3A : memref<!tpu.dma_semaphore, #tpu.memory_space<semaphore_mem>>) src(%arg11 : memref<1x900xf32, #tpu.memory_space<vmem>>) dst(%arg7 : memref<1x900xf32, #tpu.memory_space<hbm>>)
          tpu.yield
        }) : () -> ()
      } else {
      }
    } else {
    }
    return
  }
}

</mosaic_0001>

<sc_bundles>
// kernel: kernel.3.cloned.1.call-start
scs
__scs_entry_jumppad:
0x0: {  	(pc) =	sbr.rel $0x88, $3  }
0x1: {  	(tag) =	ssettag $0x0;
	lr =	simm.s32 $0x1  }
0x2: {  	[smem:$0x3F9C] =	sst lr;
	_ =	strace $0xD0000000  }
0x3: {  	_ = 	snop  }
0x4: {  	_ = 	snop  }
0x5: {  	_ = 	snop  }
0x6: {  	_ = 	snop  }
0x7: {  	_ = 	snop  }
__scs_overlays_trampoline_lowered:
0x8: {  	[smem:$0x3FAB] =	sst s0  }
0x9: {  	[smem:$0x3FAC] =	sst s1  }
0xa: {  	[smem:$0x3FAD] =	sst s2  }
0xb: {  	[smem:$0x3FAE] =	sst s3  }
0xc: {  	[smem:$0x3FAF] =	sst s4  }
0xd: {  	[smem:$0x3FB0] =	sst s5  }
0xe: {  	[smem:$0x3FB1] =	sst s6  }
0xf: {  	[smem:$0x3FB2] =	sst s7  }
0x10: {  	[smem:$0x3FB3] =	sst s8  }
0x11: {  	[smem:$0x3FB4] =	sst s9;
	s0 =	simm.s32 @!p0 $0x0  }
0x12: {  	s1 =	sld [smem:$0x3F9A];
	s0 =	simm.s32 @p0 $0x1  }
0x13: {  	[smem:$0x3FB5] =	sst s0;
	s0 =	simm.s32 @!p1 $0x0  }
0x14: {  	s2 =	sld [smem:$0x3F99];
	s0 =	simm.s32 @p1 $0x1  }
0x15: {  	[smem:$0x3FB6] =	sst s0;
	s0 =	simm.s32 @!p2 $0x0  }
0x16: {  	s3 =	sld [smem:$0x3FDB];
	s0 =	simm.s32 @p2 $0x1  }
0x17: {  	s4 =	simm.s32 $0x1BF5;
	[smem:$0x3FB8] =	sst s0  }
0x18: {  	s0 =	sld [smem:$0x3F9B];
	_ =	swait.ge [sflag:s4], $0x0  }
0x19: {  	s7 =	sld [smem:$0x3F9C]  }
0x1a: {  	s8 =	sadd.s32 $0xFFFFE003, lr  }
0x1b: {  	s9 =	sadd.s32 $0xFFFFFEF7, lr;
	s5 =	simm.s32 $0xFFFFFFFF;
	p2 =	slt.u32 s8, $0xFFFFF086  }
0x1c: {  	p1 =	slt.u32 s9, $0xF7A;
	s5 =	simm.s32 @!p2 $0x0  }
0x1d: {  	s5 =	simm.s32 @p1 $0x1;
	p0 =	seq.s32 s7, s2  }
0x1e: {  	s7 =	smul.u32 @!p0 $0xF7A, s2;
	p2 =	seq.s32 @!p0 s5, $0x0  }
0x1f: {  	s9 =	smul.u32 $0xF7A, s1;
	s8 =	simm.s32 @!p0 $0x1BF5;
	p2 =	por !p2, p0  }
0x20: {  	[sflag:s8] =	ssyncset.s32 @!p0 $0xFFFFF086;
	s6 =	sadd.s32 @!p0 s3, s7;
	s7 =	simm.s32 @!p0 $0x108  }
0x21: {  	s3 =	sadd.s32 s3, s9;
	s6 =	sadd.s32 @!p0 $0x88, s6;
	s7 =	simm.s32 @p2 $0x1082  }
0x22: {  	[simem:s7], [sflag:s8] =	dma.local @!p0 [hbm:s6], $0xF7A  }
0x23: {  	s9 =	sor.u32 $0xD0000000, s2;
	s6 =	simm.s32 $0x108;
	_ =	swait.ge @!p0 [sflag:s8], $0x0  }
0x24: {  	s3 =	sadd.s32 $0x88, s3;
	s6 =	simm.s32 @!p1 $0x1082;
	[sflag:s4] =	ssyncset.s32 $0xFFFFF086  }
0x25: {  	[simem:s6], [sflag:s4] =	dma.local [hbm:s3], $0xF7A  }
0x26: {  	[smem:$0x3F9C] =	sst s1;
	(tag) =	ssettag s2;
	_ =	strace s9  }
0x27: {  	s1 =	sld [smem:$0x3FAC]  }
0x28: {  	s2 =	sld [smem:$0x3FAD]  }
0x29: {  	s4 =	sld [smem:$0x3FAF]  }
0x2a: {  	p0 =	seq.s32 s5, $0x0;
	s5 =	sld [smem:$0x3FB0]  }
0x2b: {  	s6 =	sld [smem:$0x3FB1]  }
0x2c: {  	s7 =	sld [smem:$0x3FB2]  }
0x2d: {  	s3 =	simm.s32 $0x108;
	s8 =	sld [smem:$0x3FB3]  }
0x2e: {  	s3 =	simm.s32 @!p0 $0x1082;
	s9 =	sld [smem:$0x3FB4]  }
0x2f: {  	lr =	sadd.s32 s0, s3;
	s0 =	sld [smem:$0x3FAB]  }
0x30: {  	s3 =	sld [smem:$0x3FAE]  }
0x31: {  	[smem:$0x3FB7] =	sst s10  }
0x32: {  	s10 =	sld [smem:$0x3FB5];
	_ =	sdelay $0x3  }
0x33: {  	p0 =	seq.s32 s10, $0x1;
	s10 =	sld [smem:$0x3FB7];
	_ =	sdelay $0x3  }
0x34: {  	[smem:$0x3FB7] =	sst s10  }
0x35: {  	s10 =	sld [smem:$0x3FB6];
	_ =	sdelay $0x3  }
0x36: {  	p1 =	seq.s32 s10, $0x1;
	s10 =	sld [smem:$0x3FB7];
	_ =	sdelay $0x3  }
0x37: {  	[smem:$0x3FB7] =	sst s10  }
0x38: {  	s10 =	sld [smem:$0x3FB8]  }
0x39: {  	_ = 	snop;
	(pc) =	sbr.ind lr, $3  }
0x3a: {  	_ = 	snop  }
0x3b: {  	_ = 	snop  }
0x3c: {  	p2 =	seq.s32 s10, $0x1;
	s10 =	sld [smem:$0x3FB7]  }
0x3d: {  	_ =	shalt  }
0x3e: {  	_ =	shalt  }
0x3f: {  	_ =	shalt  }
0x40: {  	_ =	shalt  }
0x41: {  	_ =	shalt  }
0x42: {  	_ =	shalt  }
0x43: {  	_ =	shalt  }
0x44: {  	_ =	shalt  }
0x45: {  	_ =	shalt  }
0x46: {  	_ =	shalt  }
0x47: {  	_ =	shalt  }
0x48: {  	_ =	shalt  }
0x49: {  	_ =	shalt  }
0x4a: {  	_ =	shalt  }
0x4b: {  	_ =	shalt  }
0x4c: {  	_ =	shalt  }
0x4d: {  	_ =	shalt  }
0x4e: {  	_ =	shalt  }
0x4f: {  	_ =	shalt  }
0x50: {  	_ =	shalt  }
0x51: {  	_ =	shalt  }
0x52: {  	_ =	shalt  }
0x53: {  	_ =	shalt  }
0x54: {  	_ =	shalt  }
0x55: {  	_ =	shalt  }
0x56: {  	_ =	shalt  }
0x57: {  	_ =	shalt  }
0x58: {  	_ =	shalt  }
0x59: {  	_ =	shalt  }
0x5a: {  	_ =	shalt  }
0x5b: {  	_ =	shalt  }
0x5c: {  	_ =	shalt  }
0x5d: {  	_ =	shalt  }
0x5e: {  	_ =	shalt  }
0x5f: {  	_ =	shalt  }
0x60: {  	_ =	shalt  }
0x61: {  	_ =	shalt  }
0x62: {  	_ =	shalt  }
0x63: {  	_ =	shalt  }
0x64: {  	_ =	shalt  }
0x65: {  	_ =	shalt  }
0x66: {  	_ =	shalt  }
0x67: {  	_ =	shalt  }
0x68: {  	_ =	shalt  }
0x69: {  	_ =	shalt  }
0x6a: {  	_ =	shalt  }
0x6b: {  	_ =	shalt  }
0x6c: {  	_ =	shalt  }
0x6d: {  	_ =	shalt  }
0x6e: {  	_ =	shalt  }
0x6f: {  	_ =	shalt  }
0x70: {  	_ =	shalt  }
0x71: {  	_ =	shalt  }
0x72: {  	_ =	shalt  }
0x73: {  	_ =	shalt  }
0x74: {  	_ =	shalt  }
0x75: {  	_ =	shalt  }
0x76: {  	_ =	shalt  }
0x77: {  	_ =	shalt  }
0x78: {  	_ =	shalt  }
0x79: {  	_ =	shalt  }
0x7a: {  	_ =	shalt  }
0x7b: {  	_ =	shalt  }
0x7c: {  	_ =	shalt  }
0x7d: {  	_ =	shalt  }
0x7e: {  	_ =	shalt  }
0x7f: {  	_ =	shalt  }
0x80: {  	_ =	shalt  }
0x81: {  	_ =	shalt  }
0x82: {  	_ =	shalt  }
0x83: {  	_ =	shalt  }
0x84: {  	_ =	shalt  }
0x85: {  	_ =	shalt  }
0x86: {  	_ =	shalt  }
0x87: {  	_ =	shalt  }
.Lfunc_end0:
.L_simem_size_0:
called_computation_lowered:
.L_overlay_start_0:
0x88: {  	s2 =	sld [smem:$0x3FD9]  }
0x89: {  	s3 =	sld [smem:$0x3FFE];
	_ =	sdelay $0x1  }
0x8a: {  	s1 =	srdreg.scid  }
0x8b: {  	s0 =	sand.u32 $0x1, s1  }
0x8c: {  	s17 =	sshll.u32 s0, $0xA;
	s2 =	sadd.s32 s3, s2  }
0x8d: {  	s2 =	sadd.s32 s2, s17  }
0x8e: {  	[smem:$0x3FC3] =	sst s2  }
0x8f: {  	_ = 	snop  }
0x90: {  	s2 =	sld [smem:$0x3FC9]  }
0x91: {  	s18 =	sld [smem:$0x3FD0];
	(tm) =	ssettm $0x1  }
0x92: {  	s4 =	sld [smem:$0x3FFB];
	_ =	sdelay $0x3  }
0x93: {  	_ =	strace s4  }
0x94: {  	s4 =	sld [smem:$0x3FFC];
	_ =	sdelay $0x3  }
0x95: {  	_ =	strace s4  }
0x96: {  	s4 =	sld [smem:$0x3FFD];
	_ =	sdelay $0x3  }
0x97: {  	_ =	strace s4  }
0x98: {  	_ =	strace $0x8FFFFFFF  }
0x99: {  	s19 =	sld [smem:$0x3FDB];
	_ =	sdelay $0x1  }
0x9a: {  	s5 =	simm.s32 $_scs_section_size  }
0x9b: {  	s6 =	simm.s32 $_size__tile_overlayer_lowered;
	s7 =	simm.s32 $_tile_overlayer_lowered  }
0x9c: {  	s22 =	simm.s32 $0x1BFF;
	s21 =	sshll.u32 s7, $0x1;
	s4 =	sadd.s32 s5, s19  }
0x9d: {  	s8 =	simm.s32 $0x0;
	s20 =	sshll.u32 s6, $0x1;
	s6 =	sadd.s32 s21, s4  }
0x9e: {  	[timem:s8], [sflag:s22] =	dma.local [hbm:s6], s20  }
0x9f: {  	_ =	swait.ge [sflag:s22], s20  }
0xa0: {  	s5 =	ssub.s32 $0x0, s20;
	[sflag:s22] =	ssyncset.done $0x0  }
0xa1: {  	[sflag:s22] =	ssyncadd.s32 s5;
	_ =	sdelay $0x1  }
0xa2: {  	s23 =	simm.s32 $0x1B8B  }
0xa3: {  	_ =	swait.ge [sflag:s23], $0x1  }
0xa4: {  	[sflag:s23] =	ssyncset.done $0x0  }
0xa5: {  	s25 =	simm.s32 $0x1B8E;
	s24 =	sld [smem:$0x3FFE];
	[sflag:s23] =	ssyncadd.s32 $0xFFFFFFFF  }
0xa6: {  	s26 =	simm.s32 $execute0_lowered;
	[smem:$0x3FD2] =	sst s25  }
0xa7: {  	s6 =	sshll.u32 s26, $0x1;
	_ =	strace $0x80000046;
	[dreg:$0x1] =	wrdreg $0xFFFFFFFF  }
0xa8: {  	s28 =	simm.s32 $_size_execute0_lowered;
	s4 =	sadd.s32 s4, s6;
	[dreg:$0x0] =	wrdreg $0x0  }
0xa9: {  	s6 =	sshll.u32 s28, $0x1;
	[dreg:$0x2] =	wrdreg s4  }
0xaa: {  	[dreg:$0x3] =	wrdreg s6  }
0xab: {  	[dreg:$0x4] =	wrdreg $0xC0  }
0xac: {  	_ =	task [dreg:s8], $0x5FFFF  }
0xad: {  	[dreg:$0x1] =	wrdreg $0xFFFFFFFF  }
0xae: {  	[dreg:$0x0] =	wrdreg $0x60  }
0xaf: {  	[dreg:$0x2] =	wrdreg s2  }
0xb0: {  	[dreg:$0x3] =	wrdreg s24  }
0xb1: {  	[dreg:$0x4] =	wrdreg s18  }
0xb2: {  	[dreg:$0x5] =	wrdreg $0x9  }
0xb3: {  	_ =	task.clear_ibuf [dreg:s8], $0x6FFFF;
	_ =	strace $0x90000046  }
0xb4: {  	s29 =	simm.s32 $0x9;
	_ =	strace $0x80000048  }
0xb5: {  	_ =	swait.ge [sflag:s29], $0x1  }
0xb6: {  	[sflag:s29] =	ssyncadd.s32 $0xFFFFFFFF  }
0xb7: {  	_ =	strace $0x90000048  }
0xb8: {  	_ =	sfence  }
0xb9: {  	s30 =	sld [smem:$0x0];
	_ =	sdelay $0x2  }
0xba: {  	s31 =	sshll.u32 s1, $0xD;
	s1 =	sshrl.u32 s1, $0x2  }
0xbb: {  	s3 =	sand.u32 $0x4000, s31;
	s1 =	sadd.s32 s1, s30  }
0xbc: {  	s0 =	sor.u32 s3, s0;
	s1 =	sshll.u32 s1, $0x11  }
0xbd: {  	s0 =	sor.u32 s1, s0  }
0xbe: {  	s0 =	sadd.s32 $0x8F2B, s0  }
0xbf: {  	[sflag:s0] =	ssyncadd.remote.s32 $0x1  }
0xc0: {  	_ =	sfence.sel $0xFFFF  }
0xc1: {  	[dreg:$0x0] =	wrdreg $0xFFFFFFFF;
	(pc) =	sbr.abs _section_cstart, $3  }
0xc2: {  	[dreg:$0x1] =	wrdreg $0xFFFFFFFF  }
0xc3: {  	_ =	task.clear_ibuf [dreg:s8], $0x2FFFF;
	_ =	strace $0x9FFFFFFF  }
0xc4: {  	(tm) =	ssettm $0x7FFFFFFF  }
0xc5: {  	_ =	shalt  }
tec
execute0_lowered:
.L_overlay_start_1:
0x0: {  	(tag) =	ssettag $0x1  }
0x1: {  	s0 =	rddreg [dreg:$0x0];
	s4 =	stileid.u32  }
0x2: {  	s1 =	rddreg [dreg:$0x1];
	p0 =	sne.s32 s4, $0x0  }
.Ltmp0:
0x3: {  	s31 =	rddreg [dreg:$0x2];
	(pc) =	sbr.rel @p0 .LBB2_4-.Ltmp0, $4  }
0x4: {  	[dreg:$0x8] =	wrdreg s0  }
0x5: {  	s2 =	simm.s32 $0x0;
	[dreg:$0x9] =	wrdreg s31  }
0x6: {  	[smem:$0x7FF] =	sst s2  }
0x7: {  	s0 =	rddreg [dreg:$0x3];
	_ =	strace $0x80000047  }
0x8: {  	s3 =	sadd.s32 $0x7D200, s1  }
0x9: {  	s21 =	sadd.s32 $0x7D000, s1;
	[dreg:$0x4] =	wrdreg s3  }
0xa: {  	s22 =	sadd.s32 $0x7D400, s1;
	[dreg:$0x6] =	wrdreg s21  }
0xb: {  	s6 =	simm.s32 $0x80;
	[dreg:$0x7] =	wrdreg s22  }
0xc: {  	[dreg:$0x5] =	wrdreg s6  }
0xd: {  	s3 =	simm.s32 $0x1;
	s5 =	rddreg [dreg:$0x4]  }
0xe: {  	[tilespmem:s2], [sflag:$0x1] =	stream.linear.gather [hbm4b:s5+s2], $0x80, $0x38;
	[tilespmem:$0x4180] =	vst v63  }
0xf: {  	_ =	swait.ge [sflag:s3], $0x80  }
0x10: {  	s23 =	rddreg [dreg:$0x5];
	[sflag:s3] =	ssyncset.done $0x0  }
0x11: {  	s24 =	rddreg [dreg:$0x6];
	[sflag:s3] =	ssyncadd.s32 $0xFFFFFF80  }
0x12: {  	[tilespmem:s23], [sflag:$0x1] =	stream.linear.gather [hbm4b:s24+s2], $0x80, $0x38;
	[tilespmem:$0x4180] =	vst v63  }
0x13: {  	_ =	swait.ge [sflag:s3], $0x80  }
0x14: {  	[sflag:s3] =	ssyncset.done $0x0  }
0x15: {  	[sflag:s3] =	ssyncadd.s32 $0xFFFFFF80  }
0x16: {  	v0 =	vld [tilespmem:$0x80]  }
0x17: {  	v1 =	vld [tilespmem:$0x0];
	_ =	sdelay $0x3  }
0x18: {  	(v2sf) =	vpush v0, $0x0  }
0x19: {  	(v2sf) =	vpush v1, $0x2  }
0x1a: {  	(v2sf) =	vpush v1, $0x3  }
0x1b: {  	(v2sf) =	vpush v1, $0x1  }
0x1c: {  	(v2sf) =	vpush v1, $0x0  }
0x1d: {  	(v2sf) =	vpush v0, $0x1;
	_ =	sdelay $0x8  }
0x1e: {  	s25 =	srdreg.scid  }
0x1f: {  	s8 =	sand.u32 $0x1, s25;
	s26 =	spop (v2sf)  }
0x20: {  	s4 =	sor.u32 s8, s4;
	s5 =	spop (v2sf)  }
0x21: {  	s29 =	ssub.s32 $0x2, s8;
	p1 =	seq.s32 s26, $0x2;
	s9 =	spop (v2sf)  }
0x22: {  	s9 =	smov.u32 @p1 s5;
	p1 =	seq.s32 s26, $0x1;
	s5 =	spop (v2sf)  }
0x23: {  	p2 =	seq.s32 s26, $0x0;
	s9 =	smov.u32 @p1 s5;
	s5 =	spop (v2sf)  }
0x24: {  	p1 =	sne.s32 s4, $0x0;
	s9 =	smov.u32 @p2 s5;
	s10 =	spop (v2sf)  }
0x25: {  	s30 =	sshrl.u32 s29, $0x1;
	s4 =	smul.u32 @p1 $0xFA000, s9;
	s5 =	sshll.u32 @p1 s10, $0xA  }
0x26: {  	s28 =	sshll.u32 s10, $0x7;
	s9 =	smul.u32 @!p1 $0xEC5400, s9;
	s5 =	sand.u32 @p1 $0xFFFFE000, s5  }
0x27: {  	s8 =	sshrl.u32 @!p1 s10, $0x3;
	s11 =	sand.u32 $0x380, s28;
	s4 =	sadd.s32 @p1 s5, s4  }
0x28: {  	s31 =	ssub.s32 s29, s30;
	s10 =	smul.u32 @!p1 $0x1E400, s8;
	s6 =	sor.u32 @p1 s11, s4  }
0x29: {  	s5 =	simm.s32 @p1 $0x1;
	s4 =	simm.s32 @p1 $0x3D80;
	s7 =	sshrl.u32 @p1 s6, $0x3  }
0x2a: {  	s6 =	simm.s32 @p1 $0x400;
	s12 =	sadd.s32 @p1 s1, s7;
	s7 =	simm.s32 @p1 $0x80  }
0x2b: {  	[tilespmem:s4], [sflag:$0x1] =	stream.strided.gather @p1 [hbm4b:s12+s7], $0x400, s6, s7, $0x38;
	[tilespmem:$0x4180] =	vst v63  }
0x2c: {  	s14 =	smax.u32 s31, $0x1;
	_ =	swait.ge @p1 [sflag:s5], $0x400  }
0x2d: {  	s8 =	simm.s32 @p1 $0x0;
	s9 =	sadd.s32 @!p1 s10, s9;
	[sflag:s5] =	ssyncset.done @p1 $0x0  }
0x2e: {  	s9 =	sor.u32 @!p1 s11, s9;
	s13 =	rddreg [dreg:$0x7];
	[sflag:s5] =	ssyncadd.s32 @p1 $0xFFFFFC00  }
0x2f: {  	[hbm4b:s13+s8] =	stream.linear.scatter @p1 [tilespmem:s4], [sflag:$0x1], $0x400, $0x38;
	[tilespmem:$0x4180] =	vst v63  }
0x30: {  	s11 =	simm.s32 @!p1 $0x80;
	s10 =	sshrl.u32 @!p1 s9, $0x3;
	_ =	swait.ge @p1 [sflag:s5], $0x400  }
0x31: {  	s9 =	simm.s32 @!p1 $0x100;
	s13 =	rddreg [dreg:$0x8];
	[sflag:s5] =	ssyncset.done @p1 $0x0  }
0x32: {  	s12 =	simm.s32 @!p1 $0x400;
	[sflag:s5] =	ssyncadd.s32 @p1 $0xFFFFFC00;
	s13 =	sadd.s32 @!p1 s13, s10  }
0x33: {  	[tilespmem:s9], [sflag:$0x1] =	stream.strided.gather @!p1 [hbm4b:s13+s11], $0x3C80, s12, s11, $0x38;
	[tilespmem:$0x4180] =	vst v63  }
0x34: {  	s13 =	sadd.s32 $0xFFFFFFFF, s14  }
0x35: {  	p2 =	sne.s32 s13, $0x0  }
.Ltmp1:
0x36: {  	_ = 	snop;
	(pc) =	sbr.rel @!p2 .LBB2_3-.Ltmp1, $4  }
0x37: {  	s10 =	simm.s32 @!p1 $0x1  }
0x38: {  	_ =	swait.ge @!p1 [sflag:s10], $0x3C80  }
0x39: {  	[sflag:s10] =	ssyncset.done @!p1 $0x0  }
0x3a: {  	s14 =	simm.s32 @!p1 $0x0;
	s15 =	rddreg [dreg:$0x9];
	[sflag:s10] =	ssyncadd.s32 @!p1 $0xFFFFC380  }
.LBB2_2:
0x3b: {  	[hbm4b:s15+s14] =	stream.linear.scatter @!p1 [tilespmem:s9], [sflag:$0x1], $0x3C80, $0x38;
	[tilespmem:$0x4180] =	vst v63  }
0x3c: {  	_ =	swait.ge @!p1 [sflag:s10], $0x3C80  }
0x3d: {  	[sflag:s10] =	ssyncset.done @!p1 $0x0  }
0x3e: {  	s28 =	rddreg [dreg:$0x4];
	[sflag:s10] =	ssyncadd.s32 @!p1 $0xFFFFC380  }
0x3f: {  	[tilespmem:s2], [sflag:$0x1] =	stream.linear.gather [hbm4b:s28+s2], $0x80, $0x38;
	[tilespmem:$0x4180] =	vst v63  }
0x40: {  	_ =	swait.ge [sflag:s3], $0x80  }
0x41: {  	[sflag:s3] =	ssyncset.done $0x0;
	s29 =	rddreg [dreg:$0x5]  }
0x42: {  	s16 =	rddreg [dreg:$0x6];
	[sflag:s3] =	ssyncadd.s32 $0xFFFFFF80  }
0x43: {  	[tilespmem:s29], [sflag:$0x1] =	stream.linear.gather [hbm4b:s16+s2], $0x80, $0x38;
	[tilespmem:$0x4180] =	vst v63  }
0x44: {  	_ =	swait.ge [sflag:s3], $0x80  }
0x45: {  	[sflag:s3] =	ssyncset.done $0x0  }
0x46: {  	[sflag:s3] =	ssyncadd.s32 $0xFFFFFF80  }
0x47: {  	v0 =	vld [tilespmem:$0x80]  }
0x48: {  	v1 =	vld [tilespmem:$0x0];
	_ =	sdelay $0x3  }
0x49: {  	(v2sf) =	vpush v0, $0x0  }
0x4a: {  	(v2sf) =	vpush v1, $0x2  }
0x4b: {  	(v2sf) =	vpush v1, $0x3  }
0x4c: {  	(v2sf) =	vpush v1, $0x1  }
0x4d: {  	(v2sf) =	vpush v1, $0x0  }
0x4e: {  	(v2sf) =	vpush v0, $0x1;
	_ =	sdelay $0x9  }
0x4f: {  	s30 =	spop (v2sf)  }
0x50: {  	s16 =	spop (v2sf)  }
0x51: {  	p3 =	seq.s32 s30, $0x2;
	s17 =	spop (v2sf)  }
0x52: {  	s17 =	smov.u32 @p3 s16;
	p3 =	seq.s32 s30, $0x1;
	s16 =	spop (v2sf)  }
0x53: {  	s17 =	smov.u32 @p3 s16;
	p3 =	seq.s32 s30, $0x0;
	s15 =	spop (v2sf)  }
0x54: {  	s17 =	smov.u32 @p3 s15;
	s15 =	spop (v2sf)  }
0x55: {  	s18 =	smul.u32 @p1 $0xFA000, s17;
	s19 =	sshll.u32 @p1 s15, $0xA  }
0x56: {  	s31 =	sshll.u32 s15, $0x7;
	s17 =	smul.u32 @!p1 $0xEC5400, s17;
	s19 =	sand.u32 @p1 $0xFFFFE000, s19  }
0x57: {  	s15 =	sshrl.u32 @!p1 s15, $0x3;
	s16 =	sand.u32 $0x380, s31;
	s18 =	sadd.s32 @p1 s19, s18  }
0x58: {  	s15 =	smul.u32 @!p1 $0x1E400, s15;
	s18 =	sor.u32 @p1 s16, s18  }
0x59: {  	s18 =	sshrl.u32 @p1 s18, $0x3  }
0x5a: {  	s15 =	sadd.s32 @!p1 s15, s17;
	s17 =	sadd.s32 @p1 s1, s18  }
0x5b: {  	[tilespmem:s4], [sflag:$0x1] =	stream.strided.gather @p1 [hbm4b:s17+s7], $0x400, s6, s7, $0x38;
	[tilespmem:$0x4180] =	vst v63  }
0x5c: {  	_ =	swait.ge @p1 [sflag:s5], $0x400  }
0x5d: {  	s13 =	sadd.s32 $0xFFFFFFFF, s13;
	[sflag:s5] =	ssyncset.done @p1 $0x0  }
0x5e: {  	s15 =	sor.u32 @!p1 s16, s15;
	s16 =	rddreg [dreg:$0x7];
	[sflag:s5] =	ssyncadd.s32 @p1 $0xFFFFFC00  }
0x5f: {  	[hbm4b:s16+s8] =	stream.linear.scatter @p1 [tilespmem:s4], [sflag:$0x1], $0x400, $0x38;
	[tilespmem:$0x4180] =	vst v63  }
0x60: {  	p2 =	sne.s32 s13, $0x0;
	_ =	swait.ge @p1 [sflag:s5], $0x400  }
0x61: {  	s15 =	sshrl.u32 @!p1 s15, $0x3;
	s16 =	rddreg [dreg:$0x8];
	[sflag:s5] =	ssyncset.done @p1 $0x0  }
.Ltmp2:
0x62: {  	[sflag:s5] =	ssyncadd.s32 @p1 $0xFFFFFC00;
	s15 =	sadd.s32 @!p1 s16, s15;
	(pc) =	sbr.rel @p2 .LBB2_2-.Ltmp2, $4  }
0x63: {  	[tilespmem:s9], [sflag:$0x1] =	stream.strided.gather @!p1 [hbm4b:s15+s11], $0x3C80, s12, s11, $0x38;
	[tilespmem:$0x4180] =	vst v63  }
0x64: {  	_ =	swait.ge @!p1 [sflag:s10], $0x3C80  }
0x65: {  	[sflag:s10] =	ssyncset.done @!p1 $0x0  }
0x66: {  	s15 =	rddreg [dreg:$0x9];
	[sflag:s10] =	ssyncadd.s32 @!p1 $0xFFFFC380  }
.LBB2_3:
0x67: {  	[hbm4b:s15+s14] =	stream.linear.scatter @!p1 [tilespmem:s9], [sflag:$0x1], $0x3C80, $0x38;
	[tilespmem:$0x4180] =	vst v63  }
0x68: {  	_ =	swait.ge @!p1 [sflag:s10], $0x3C80  }
0x69: {  	[sflag:s10] =	ssyncset.done @!p1 $0x0  }
0x6a: {  	[sflag:s10] =	ssyncadd.s32 @!p1 $0xFFFFC380  }
.LBB2_4:
0x6b: {  	_ =	sfence.sel $0x180000  }
0x6c: {  	[bflag:$0x0] =	sbarrier.arrive $0xFFFF  }
0x6d: {  	_ =	strace $0x90000047  }
0x6e: {  	s0 =	sadd.s32 @!p0 $0x100000, s0;
	[bflag:$0x2] =	sbarrier.arrive $0xFFFF  }
0x6f: {  	[sflag:s0] =	ssyncadd.tile.s32 @!p0 $0x1;
	_ =	shalt  }
.Lfunc_end2:
_tile_overlayer_lowered:
.L_overlay_start_2:
0x70: {  	(tag) =	ssettag $0x2  }
0x71: {  	s0 =	rddreg [dreg:$0x0];
	s2 =	stileid.u32  }
0x72: {  	s1 =	rddreg [dreg:$0x1];
	p0 =	sne.s32 s2, $0x0  }
0x73: {  	s3 =	rddreg [dreg:$0x2];
	[bflag:$0x3] =	sbarrier.arrive $0xFFFF;
	s2 =	simm.s32 @!p0 $0x1C01  }
0x74: {  	[timem:s3], [sflag:s2] =	dma.local @!p0 [hbm:s0], s1  }
0x75: {  	s0 =	simm.s32 @!p0 $0x1  }
0x76: {  	_ =	swait.ge @!p0 [sflag:s0], s1  }
0x77: {  	s1 =	ssub.s32 @!p0 $0x0, s1;
	[sflag:s0] =	ssyncset.done @!p0 $0x0  }
0x78: {  	[sflag:s0] =	ssyncadd.s32 @!p0 s1  }
0x79: {  	[bflag:$0x3] =	sbarrier.arrive $0xFFFF  }
0x7a: {  	_ =	shalt  }

</sc_bundles>
